<compile_context>
chip_gen: v7x
topology: tpu7x:2x2x1
jax: 0.10.2.dev20260603
libtpu: 0.0.44.dev20260713+nightly
codegen_flags: <defaults>
</compile_context>

<pallas_src>
import functools

import jax
import jax.numpy as jnp
from jax import lax
from jax.experimental import pallas as pl
from jax.experimental.pallas import tpu as pltpu
from jax.experimental.pallas import tpu_sc as plsc

N_ATOMS = 4194304
TABLE_LEN = 119
L = 16
NC = 2
NS = 16
NW = NC * NS
PER_W = N_ATOMS // NW
CHUNK = 16384
NCHUNK = PER_W // CHUNK

_mesh = plsc.VectorSubcoreMesh(core_axis_name="c", subcore_axis_name="s")


@functools.partial(
    pl.kernel,
    mesh=_mesh,
    out_type=jax.ShapeDtypeStruct((N_ATOMS,), jnp.float32),
    scratch_types=[
        pltpu.VMEM((TABLE_LEN,), jnp.float32),
        pltpu.VMEM((CHUNK,), jnp.int32),
        pltpu.VMEM((CHUNK,), jnp.int32),
        pltpu.VMEM((CHUNK,), jnp.float32),
        pltpu.VMEM((CHUNK,), jnp.float32),
        pltpu.SemaphoreType.DMA,
        pltpu.SemaphoreType.DMA,
        pltpu.SemaphoreType.DMA,
        pltpu.SemaphoreType.DMA,
    ],
    compiler_params=pltpu.CompilerParams(needs_layout_passes=False),
)
def _lookup(species_hbm, const_hbm, out_hbm,
            table_v, idx0, idx1, val0, val1,
            sin0, sin1, sout0, sout1):
    wid = lax.axis_index("s") * NC + lax.axis_index("c")
    base = wid * PER_W

    idx = (idx0, idx1)
    val = (val0, val1)
    sin = (sin0, sin1)
    sout = (sout0, sout1)

    def in_copy(c, b):
        return pltpu.make_async_copy(
            species_hbm.at[pl.ds(base + c * CHUNK, CHUNK)], idx[b], sin[b])

    def out_copy(c, b):
        return pltpu.make_async_copy(
            val[b], out_hbm.at[pl.ds(base + c * CHUNK, CHUNK)], sout[b])

    def compute(b):
        idx_ref = idx[b]
        val_ref = val[b]

        @plsc.parallel_loop(0, CHUNK, L, unroll=4)
        def _(i):
            sl = pl.ds(i, L)
            val_ref[sl] = plsc.load_gather(table_v, [idx_ref[sl]])

    in_copy(0, 0).start()
    in_copy(1, 1).start()
    pltpu.sync_copy(const_hbm, table_v)

    @pl.loop(0, NCHUNK, step=2)
    def _(g):
        for b in range(2):
            c = g + b
            in_copy(c, b).wait()

            @pl.when(g >= 2)
            def _():
                out_copy(c - 2, b).wait()

            compute(b)
            out_copy(c, b).start()

            @pl.when(g < NCHUNK - 2)
            def _():
                in_copy(c + 2, b).start()

    out_copy(NCHUNK - 2, 0).wait()
    out_copy(NCHUNK - 1, 1).wait()


def kernel(species, constant):
    return _lookup(species, constant)

# --- scband reference (transcript-rebuilt; emitter-appended) ---
"""Pipeline reference for scband-chemical-constant-77790447665669 (READ-ONLY COPY).

The authoritative reference and input builder live on the scoring server;
editing this copy changes nothing except your own understanding.
"""

import jax, jax.numpy as jnp
import numpy as np

N_ATOMS = 4194304
TABLE_LEN = 119

def setup_inputs(seed: int = 0) -> dict:
    key = jax.random.key(seed)
    species = jax.random.randint(key, (N_ATOMS,), 0, TABLE_LEN, dtype=jnp.int32)
    # learned/constant parameter: per-element constant, value[i] = 0.1 * i (matches init value list)
    constant = (jnp.arange(TABLE_LEN, dtype=jnp.float32) * 0.1)
    return {"species": species, "constant": constant}

def reference(species, constant):
    # ChemicalConstant.__call__: output = constant[inputs['species']]
    output = jnp.take(constant, species, axis=0)
    return output

if __name__ == "__main__":
    import jax
    _d = setup_inputs()
    print(jax.jit(kernel)(*tuple(_d.values())))

</pallas_src>

<mosaic_0001>
#map = affine_map<(d0, d1) -> (0)>
module attributes {stable_mosaic.version = 14 : i64} {
  func.func @_lookup(%arg0: i32, %arg1: i32, %arg2: memref<4194304xi32, #tpu.memory_space<hbm>>, %arg3: memref<119xf32, #tpu.memory_space<hbm>>, %arg4: memref<4194304xf32, #tpu.memory_space<hbm>>, %arg5: memref<119xf32, #tpu.memory_space<vmem>>, %arg6: memref<16384xi32, #tpu.memory_space<vmem>>, %arg7: memref<16384xi32, #tpu.memory_space<vmem>>, %arg8: memref<16384xf32, #tpu.memory_space<vmem>>, %arg9: memref<16384xf32, #tpu.memory_space<vmem>>, %arg10: memref<!tpu.dma_semaphore, #tpu.memory_space<semaphore_mem>>, %arg11: memref<!tpu.dma_semaphore, #tpu.memory_space<semaphore_mem>>, %arg12: memref<!tpu.dma_semaphore, #tpu.memory_space<semaphore_mem>>, %arg13: memref<!tpu.dma_semaphore, #tpu.memory_space<semaphore_mem>>) attributes {dimension_semantics = [#tpu.dimension_semantics<core_parallel>, #tpu.dimension_semantics<subcore_parallel>], iteration_bounds = array<i64: 2, 16>, scalar_prefetch = 0 : i64, scratch_operands = 9 : i64, tpu.core_type = #tpu.core_type<sc_vector_subcore>, window_params = [{transform_indices = #map}, {transform_indices = #map}, {transform_indices = #map}]} {
    %mul3A = arith.constant 2 : i32
    %mul3A_0 = arith.muli %arg1, %mul3A : i32
    %add3A = arith.addi %mul3A_0, %arg0 : i32
    %mul3A_1 = arith.constant 131072 : i32
    %mul3A_2 = arith.muli %add3A, %mul3A_1 : i32
    %add3A_3 = arith.constant 0 : i32
    %add3A_4 = arith.addi %mul3A_2, %add3A_3 : i32
    %dma_start3A = tpu.memref_slice %arg2[%add3A_4] : memref<4194304xi32, #tpu.memory_space<hbm>> -> memref<16384xi32, #tpu.memory_space<hbm>>
    %dma_start3A_5 = tpu.memref_slice %arg2[%add3A_4] : memref<4194304xi32, #tpu.memory_space<hbm>> -> memref<16384xi32, #tpu.memory_space<hbm>>
    tpu.enqueue_dma source(%dma_start3A_5 : memref<16384xi32, #tpu.memory_space<hbm>>) target(%arg6 : memref<16384xi32, #tpu.memory_space<vmem>>) target_semaphore(%arg10 : memref<!tpu.dma_semaphore, #tpu.memory_space<semaphore_mem>>)
    %add3A_6 = arith.constant 16384 : i32
    %add3A_7 = arith.addi %mul3A_2, %add3A_6 : i32
    %dma_start3A_8 = tpu.memref_slice %arg2[%add3A_7] : memref<4194304xi32, #tpu.memory_space<hbm>> -> memref<16384xi32, #tpu.memory_space<hbm>>
    %dma_start3A_9 = tpu.memref_slice %arg2[%add3A_7] : memref<4194304xi32, #tpu.memory_space<hbm>> -> memref<16384xi32, #tpu.memory_space<hbm>>
    tpu.enqueue_dma source(%dma_start3A_9 : memref<16384xi32, #tpu.memory_space<hbm>>) target(%arg7 : memref<16384xi32, #tpu.memory_space<vmem>>) target_semaphore(%arg11 : memref<!tpu.dma_semaphore, #tpu.memory_space<semaphore_mem>>)
    "tpu.region"() ({
      %run_scoped3A = tpu.sem_alloc : memref<!tpu.dma_semaphore, #tpu.memory_space<semaphore_mem>>
      tpu.enqueue_dma source(%arg3 : memref<119xf32, #tpu.memory_space<hbm>>) target(%arg5 : memref<119xf32, #tpu.memory_space<vmem>>) target_semaphore(%run_scoped3A : memref<!tpu.dma_semaphore, #tpu.memory_space<semaphore_mem>>)
      tpu.wait_dma2 semaphore(%run_scoped3A : memref<!tpu.dma_semaphore, #tpu.memory_space<semaphore_mem>>) src(%arg3 : memref<119xf32, #tpu.memory_space<hbm>>) dst(%arg5 : memref<119xf32, #tpu.memory_space<vmem>>)
      tpu.yield
    }) : () -> ()
    %scan3A = arith.constant 0 : i32
    %scan3A_10 = arith.constant 4 : i32
    %scan3A_11 = arith.addi %scan3A, %scan3A_10 : i32
    %scan3A_12 = arith.constant 1 : i32
    scf.for %scan3A_21 = %scan3A to %scan3A_11 step %scan3A_12  : i32 {
      %mul3A_22 = arith.constant 2 : i32
      %mul3A_23 = arith.muli %scan3A_21, %mul3A_22 : i32
      %add3A_24 = arith.constant 0 : i32
      %add3A_25 = arith.addi %add3A_24, %mul3A_23 : i32
      %add3A_26 = arith.constant 0 : i32
      %add3A_27 = arith.addi %add3A_25, %add3A_26 : i32
      %mul3A_28 = arith.constant 16384 : i32
      %mul3A_29 = arith.muli %add3A_27, %mul3A_28 : i32
      %add3A_30 = arith.addi %mul3A_2, %mul3A_29 : i32
      %dma_wait3A_31 = tpu.memref_slice %arg2[%add3A_30] : memref<4194304xi32, #tpu.memory_space<hbm>> -> memref<16384xi32, #tpu.memory_space<hbm>>
      %dma_wait3A_32 = tpu.memref_slice %arg2[%add3A_30] : memref<4194304xi32, #tpu.memory_space<hbm>> -> memref<16384xi32, #tpu.memory_space<hbm>>
      tpu.wait_dma2 semaphore(%arg10 : memref<!tpu.dma_semaphore, #tpu.memory_space<semaphore_mem>>) src(%dma_wait3A_32 : memref<16384xi32, #tpu.memory_space<hbm>>) dst(%arg6 : memref<16384xi32, #tpu.memory_space<vmem>>)
      %ge3A = arith.constant 2 : i32
      %ge3A_33 = arith.cmpi sge, %add3A_25, %ge3A : i32
      %convert_element_type3A = arith.extui %ge3A_33 : i1 to i32
      %cond3A = arith.constant 0 : i32
      %cond3A_34 = arith.cmpi ne, %convert_element_type3A, %cond3A : i32
      scf.if %cond3A_34 {
        %sub3A = arith.constant 2 : i32
        %sub3A_71 = arith.subi %add3A_27, %sub3A : i32
        %mul3A_72 = arith.constant 16384 : i32
        %mul3A_73 = arith.muli %sub3A_71, %mul3A_72 : i32
        %add3A_74 = arith.addi %mul3A_2, %mul3A_73 : i32
        %dma_wait3A_75 = tpu.memref_slice %arg4[%add3A_74] : memref<4194304xf32, #tpu.memory_space<hbm>> -> memref<16384xf32, #tpu.memory_space<hbm>>
        %dma_wait3A_76 = tpu.memref_slice %arg4[%add3A_74] : memref<4194304xf32, #tpu.memory_space<hbm>> -> memref<16384xf32, #tpu.memory_space<hbm>>
        tpu.wait_dma2 semaphore(%arg12 : memref<!tpu.dma_semaphore, #tpu.memory_space<semaphore_mem>>) src(%arg8 : memref<16384xf32, #tpu.memory_space<vmem>>) dst(%dma_wait3A_76 : memref<16384xf32, #tpu.memory_space<hbm>>)
      } else {
      }
      %parallel_loop3A = arith.constant 0 : i32
      %parallel_loop3A_35 = arith.constant 16384 : i32
      %parallel_loop3A_36 = arith.constant 16 : i32
      scf.for %parallel_loop3A_71 = %parallel_loop3A to %parallel_loop3A_35 step %parallel_loop3A_36  : i32 {
        %parallel_loop3A_72 = arith.index_cast %parallel_loop3A_71 : i32 to index
        %parallel_loop3A_73 = tpu.vector_load %arg6[%parallel_loop3A_72] {strides = array<i32>} : memref<16384xi32, #tpu.memory_space<vmem>>, vector<16xi32>,
        %parallel_loop3A_74 = tpu.vector_load_idx %arg5[%parallel_loop3A_73] : memref<119xf32, #tpu.memory_space<vmem>>[vector<16xi32>], vector<16xf32>,
        %parallel_loop3A_75 = arith.index_cast %parallel_loop3A_71 : i32 to index
        %parallel_loop3A_76 = tpu.vector_load %arg8[%parallel_loop3A_75] {strides = array<i32>} : memref<16384xf32, #tpu.memory_space<vmem>>, vector<16xf32>,
        tpu.vector_store %arg8[%parallel_loop3A_75], %parallel_loop3A_74 {strides = array<i32>} : memref<16384xf32, #tpu.memory_space<vmem>>, vector<16xf32>,
      } {sc.loop_unroll_factor = 4 : i64, sc.parallel_access}
      %mul3A_37 = arith.constant 16384 : i32
      %mul3A_38 = arith.muli %add3A_27, %mul3A_37 : i32
      %add3A_39 = arith.addi %mul3A_2, %mul3A_38 : i32
      %dma_start3A_40 = tpu.memref_slice %arg4[%add3A_39] : memref<4194304xf32, #tpu.memory_space<hbm>> -> memref<16384xf32, #tpu.memory_space<hbm>>
      %dma_start3A_41 = tpu.memref_slice %arg4[%add3A_39] : memref<4194304xf32, #tpu.memory_space<hbm>> -> memref<16384xf32, #tpu.memory_space<hbm>>
      tpu.enqueue_dma source(%arg8 : memref<16384xf32, #tpu.memory_space<vmem>>) target(%dma_start3A_41 : memref<16384xf32, #tpu.memory_space<hbm>>) target_semaphore(%arg12 : memref<!tpu.dma_semaphore, #tpu.memory_space<semaphore_mem>>)
      %lt3A = arith.constant 6 : i32
      %lt3A_42 = arith.cmpi slt, %add3A_25, %lt3A : i32
      %convert_element_type3A_43 = arith.extui %lt3A_42 : i1 to i32
      %cond3A_44 = arith.constant 0 : i32
      %cond3A_45 = arith.cmpi ne, %convert_element_type3A_43, %cond3A_44 : i32
      scf.if %cond3A_45 {
        %add3A_71 = arith.constant 2 : i32
        %add3A_72 = arith.addi %add3A_27, %add3A_71 : i32
        %mul3A_73 = arith.constant 16384 : i32
        %mul3A_74 = arith.muli %add3A_72, %mul3A_73 : i32
        %add3A_75 = arith.addi %mul3A_2, %mul3A_74 : i32
        %dma_start3A_76 = tpu.memref_slice %arg2[%add3A_75] : memref<4194304xi32, #tpu.memory_space<hbm>> -> memref<16384xi32, #tpu.memory_space<hbm>>
        %dma_start3A_77 = tpu.memref_slice %arg2[%add3A_75] : memref<4194304xi32, #tpu.memory_space<hbm>> -> memref<16384xi32, #tpu.memory_space<hbm>>
        tpu.enqueue_dma source(%dma_start3A_77 : memref<16384xi32, #tpu.memory_space<hbm>>) target(%arg6 : memref<16384xi32, #tpu.memory_space<vmem>>) target_semaphore(%arg10 : memref<!tpu.dma_semaphore, #tpu.memory_space<semaphore_mem>>)
      } else {
      }
      %add3A_46 = arith.constant 1 : i32
      %add3A_47 = arith.addi %add3A_25, %add3A_46 : i32
      %mul3A_48 = arith.constant 16384 : i32
      %mul3A_49 = arith.muli %add3A_47, %mul3A_48 : i32
      %add3A_50 = arith.addi %mul3A_2, %mul3A_49 : i32
      %dma_wait3A_51 = tpu.memref_slice %arg2[%add3A_50] : memref<4194304xi32, #tpu.memory_space<hbm>> -> memref<16384xi32, #tpu.memory_space<hbm>>
      %dma_wait3A_52 = tpu.memref_slice %arg2[%add3A_50] : memref<4194304xi32, #tpu.memory_space<hbm>> -> memref<16384xi32, #tpu.memory_space<hbm>>
      tpu.wait_dma2 semaphore(%arg11 : memref<!tpu.dma_semaphore, #tpu.memory_space<semaphore_mem>>) src(%dma_wait3A_52 : memref<16384xi32, #tpu.memory_space<hbm>>) dst(%arg7 : memref<16384xi32, #tpu.memory_space<vmem>>)
      %ge3A_53 = arith.constant 2 : i32
      %ge3A_54 = arith.cmpi sge, %add3A_25, %ge3A_53 : i32
      %convert_element_type3A_55 = arith.extui %ge3A_54 : i1 to i32
      %cond3A_56 = arith.constant 0 : i32
      %cond3A_57 = arith.cmpi ne, %convert_element_type3A_55, %cond3A_56 : i32
      scf.if %cond3A_57 {
        %sub3A = arith.constant 2 : i32
        %sub3A_71 = arith.subi %add3A_47, %sub3A : i32
        %mul3A_72 = arith.constant 16384 : i32
        %mul3A_73 = arith.muli %sub3A_71, %mul3A_72 : i32
        %add3A_74 = arith.addi %mul3A_2, %mul3A_73 : i32
        %dma_wait3A_75 = tpu.memref_slice %arg4[%add3A_74] : memref<4194304xf32, #tpu.memory_space<hbm>> -> memref<16384xf32, #tpu.memory_space<hbm>>
        %dma_wait3A_76 = tpu.memref_slice %arg4[%add3A_74] : memref<4194304xf32, #tpu.memory_space<hbm>> -> memref<16384xf32, #tpu.memory_space<hbm>>
        tpu.wait_dma2 semaphore(%arg13 : memref<!tpu.dma_semaphore, #tpu.memory_space<semaphore_mem>>) src(%arg9 : memref<16384xf32, #tpu.memory_space<vmem>>) dst(%dma_wait3A_76 : memref<16384xf32, #tpu.memory_space<hbm>>)
      } else {
      }
      %parallel_loop3A_58 = arith.constant 0 : i32
      %parallel_loop3A_59 = arith.constant 16384 : i32
      %parallel_loop3A_60 = arith.constant 16 : i32
      scf.for %parallel_loop3A_71 = %parallel_loop3A_58 to %parallel_loop3A_59 step %parallel_loop3A_60  : i32 {
        %parallel_loop3A_72 = arith.index_cast %parallel_loop3A_71 : i32 to index
        %parallel_loop3A_73 = tpu.vector_load %arg7[%parallel_loop3A_72] {strides = array<i32>} : memref<16384xi32, #tpu.memory_space<vmem>>, vector<16xi32>,
        %parallel_loop3A_74 = tpu.vector_load_idx %arg5[%parallel_loop3A_73] : memref<119xf32, #tpu.memory_space<vmem>>[vector<16xi32>], vector<16xf32>,
        %parallel_loop3A_75 = arith.index_cast %parallel_loop3A_71 : i32 to index
        %parallel_loop3A_76 = tpu.vector_load %arg9[%parallel_loop3A_75] {strides = array<i32>} : memref<16384xf32, #tpu.memory_space<vmem>>, vector<16xf32>,
        tpu.vector_store %arg9[%parallel_loop3A_75], %parallel_loop3A_74 {strides = array<i32>} : memref<16384xf32, #tpu.memory_space<vmem>>, vector<16xf32>,
      } {sc.loop_unroll_factor = 4 : i64, sc.parallel_access}
      %mul3A_61 = arith.constant 16384 : i32
      %mul3A_62 = arith.muli %add3A_47, %mul3A_61 : i32
      %add3A_63 = arith.addi %mul3A_2, %mul3A_62 : i32
      %dma_start3A_64 = tpu.memref_slice %arg4[%add3A_63] : memref<4194304xf32, #tpu.memory_space<hbm>> -> memref<16384xf32, #tpu.memory_space<hbm>>
      %dma_start3A_65 = tpu.memref_slice %arg4[%add3A_63] : memref<4194304xf32, #tpu.memory_space<hbm>> -> memref<16384xf32, #tpu.memory_space<hbm>>
      tpu.enqueue_dma source(%arg9 : memref<16384xf32, #tpu.memory_space<vmem>>) target(%dma_start3A_65 : memref<16384xf32, #tpu.memory_space<hbm>>) target_semaphore(%arg13 : memref<!tpu.dma_semaphore, #tpu.memory_space<semaphore_mem>>)
      %lt3A_66 = arith.constant 6 : i32
      %lt3A_67 = arith.cmpi slt, %add3A_25, %lt3A_66 : i32
      %convert_element_type3A_68 = arith.extui %lt3A_67 : i1 to i32
      %cond3A_69 = arith.constant 0 : i32
      %cond3A_70 = arith.cmpi ne, %convert_element_type3A_68, %cond3A_69 : i32
      scf.if %cond3A_70 {
        %add3A_71 = arith.constant 2 : i32
        %add3A_72 = arith.addi %add3A_47, %add3A_71 : i32
        %mul3A_73 = arith.constant 16384 : i32
        %mul3A_74 = arith.muli %add3A_72, %mul3A_73 : i32
        %add3A_75 = arith.addi %mul3A_2, %mul3A_74 : i32
        %dma_start3A_76 = tpu.memref_slice %arg2[%add3A_75] : memref<4194304xi32, #tpu.memory_space<hbm>> -> memref<16384xi32, #tpu.memory_space<hbm>>
        %dma_start3A_77 = tpu.memref_slice %arg2[%add3A_75] : memref<4194304xi32, #tpu.memory_space<hbm>> -> memref<16384xi32, #tpu.memory_space<hbm>>
        tpu.enqueue_dma source(%dma_start3A_77 : memref<16384xi32, #tpu.memory_space<hbm>>) target(%arg7 : memref<16384xi32, #tpu.memory_space<vmem>>) target_semaphore(%arg11 : memref<!tpu.dma_semaphore, #tpu.memory_space<semaphore_mem>>)
      } else {
      }
    }
    %scan3A_13 = arith.constant 4 : i32
    %add3A_14 = arith.constant 98304 : i32
    %add3A_15 = arith.addi %mul3A_2, %add3A_14 : i32
    %dma_wait3A = tpu.memref_slice %arg4[%add3A_15] : memref<4194304xf32, #tpu.memory_space<hbm>> -> memref<16384xf32, #tpu.memory_space<hbm>>
    %dma_wait3A_16 = tpu.memref_slice %arg4[%add3A_15] : memref<4194304xf32, #tpu.memory_space<hbm>> -> memref<16384xf32, #tpu.memory_space<hbm>>
    tpu.wait_dma2 semaphore(%arg12 : memref<!tpu.dma_semaphore, #tpu.memory_space<semaphore_mem>>) src(%arg8 : memref<16384xf32, #tpu.memory_space<vmem>>) dst(%dma_wait3A_16 : memref<16384xf32, #tpu.memory_space<hbm>>)
    %add3A_17 = arith.constant 114688 : i32
    %add3A_18 = arith.addi %mul3A_2, %add3A_17 : i32
    %dma_wait3A_19 = tpu.memref_slice %arg4[%add3A_18] : memref<4194304xf32, #tpu.memory_space<hbm>> -> memref<16384xf32, #tpu.memory_space<hbm>>
    %dma_wait3A_20 = tpu.memref_slice %arg4[%add3A_18] : memref<4194304xf32, #tpu.memory_space<hbm>> -> memref<16384xf32, #tpu.memory_space<hbm>>
    tpu.wait_dma2 semaphore(%arg13 : memref<!tpu.dma_semaphore, #tpu.memory_space<semaphore_mem>>) src(%arg9 : memref<16384xf32, #tpu.memory_space<vmem>>) dst(%dma_wait3A_20 : memref<16384xf32, #tpu.memory_space<hbm>>)
    return
  }
}

</mosaic_0001>

<sc_bundles>
// kernel: kernel.3.cloned.1.call-start
scs
__scs_entry_jumppad:
0x0: {  	(pc) =	sbr.rel $0x88, $3  }
0x1: {  	(tag) =	ssettag $0x0;
	lr =	simm.s32 $0x1  }
0x2: {  	[smem:$0x3F9F] =	sst lr;
	_ =	strace $0xD0000000  }
0x3: {  	_ = 	snop  }
0x4: {  	_ = 	snop  }
0x5: {  	_ = 	snop  }
0x6: {  	_ = 	snop  }
0x7: {  	_ = 	snop  }
__scs_overlays_trampoline_lowered:
0x8: {  	[smem:$0x3FAE] =	sst s0  }
0x9: {  	[smem:$0x3FAF] =	sst s1  }
0xa: {  	[smem:$0x3FB0] =	sst s2  }
0xb: {  	[smem:$0x3FB1] =	sst s3  }
0xc: {  	[smem:$0x3FB2] =	sst s4  }
0xd: {  	[smem:$0x3FB3] =	sst s5  }
0xe: {  	[smem:$0x3FB4] =	sst s6  }
0xf: {  	[smem:$0x3FB5] =	sst s7  }
0x10: {  	[smem:$0x3FB6] =	sst s8  }
0x11: {  	[smem:$0x3FB7] =	sst s9;
	s0 =	simm.s32 @!p0 $0x0  }
0x12: {  	s1 =	sld [smem:$0x3F9D];
	s0 =	simm.s32 @p0 $0x1  }
0x13: {  	[smem:$0x3FB8] =	sst s0;
	s0 =	simm.s32 @!p1 $0x0  }
0x14: {  	s2 =	sld [smem:$0x3F9C];
	s0 =	simm.s32 @p1 $0x1  }
0x15: {  	[smem:$0x3FB9] =	sst s0;
	s0 =	simm.s32 @!p2 $0x0  }
0x16: {  	s3 =	sld [smem:$0x3FDB];
	s0 =	simm.s32 @p2 $0x1  }
0x17: {  	s4 =	simm.s32 $0x1BF5;
	[smem:$0x3FBB] =	sst s0  }
0x18: {  	s0 =	sld [smem:$0x3F9E];
	_ =	swait.ge [sflag:s4], $0x0  }
0x19: {  	s7 =	sld [smem:$0x3F9F]  }
0x1a: {  	s8 =	sadd.s32 $0xFFFFE003, lr  }
0x1b: {  	s9 =	sadd.s32 $0xFFFFFEF7, lr;
	s5 =	simm.s32 $0xFFFFFFFF;
	p2 =	slt.u32 s8, $0xFFFFF086  }
0x1c: {  	p1 =	slt.u32 s9, $0xF7A;
	s5 =	simm.s32 @!p2 $0x0  }
0x1d: {  	s5 =	simm.s32 @p1 $0x1;
	p0 =	seq.s32 s7, s2  }
0x1e: {  	s7 =	smul.u32 @!p0 $0xF7A, s2;
	p2 =	seq.s32 @!p0 s5, $0x0  }
0x1f: {  	s9 =	smul.u32 $0xF7A, s1;
	s8 =	simm.s32 @!p0 $0x1BF5;
	p2 =	por !p2, p0  }
0x20: {  	[sflag:s8] =	ssyncset.s32 @!p0 $0xFFFFF086;
	s6 =	sadd.s32 @!p0 s3, s7;
	s7 =	simm.s32 @!p0 $0x108  }
0x21: {  	s3 =	sadd.s32 s3, s9;
	s6 =	sadd.s32 @!p0 $0x88, s6;
	s7 =	simm.s32 @p2 $0x1082  }
0x22: {  	[simem:s7], [sflag:s8] =	dma.local @!p0 [hbm:s6], $0xF7A  }
0x23: {  	s9 =	sor.u32 $0xD0000000, s2;
	s6 =	simm.s32 $0x108;
	_ =	swait.ge @!p0 [sflag:s8], $0x0  }
0x24: {  	s3 =	sadd.s32 $0x88, s3;
	s6 =	simm.s32 @!p1 $0x1082;
	[sflag:s4] =	ssyncset.s32 $0xFFFFF086  }
0x25: {  	[simem:s6], [sflag:s4] =	dma.local [hbm:s3], $0xF7A  }
0x26: {  	[smem:$0x3F9F] =	sst s1;
	(tag) =	ssettag s2;
	_ =	strace s9  }
0x27: {  	s1 =	sld [smem:$0x3FAF]  }
0x28: {  	s2 =	sld [smem:$0x3FB0]  }
0x29: {  	s4 =	sld [smem:$0x3FB2]  }
0x2a: {  	p0 =	seq.s32 s5, $0x0;
	s5 =	sld [smem:$0x3FB3]  }
0x2b: {  	s6 =	sld [smem:$0x3FB4]  }
0x2c: {  	s7 =	sld [smem:$0x3FB5]  }
0x2d: {  	s3 =	simm.s32 $0x108;
	s8 =	sld [smem:$0x3FB6]  }
0x2e: {  	s3 =	simm.s32 @!p0 $0x1082;
	s9 =	sld [smem:$0x3FB7]  }
0x2f: {  	lr =	sadd.s32 s0, s3;
	s0 =	sld [smem:$0x3FAE]  }
0x30: {  	s3 =	sld [smem:$0x3FB1]  }
0x31: {  	[smem:$0x3FBA] =	sst s10  }
0x32: {  	s10 =	sld [smem:$0x3FB8];
	_ =	sdelay $0x3  }
0x33: {  	p0 =	seq.s32 s10, $0x1;
	s10 =	sld [smem:$0x3FBA];
	_ =	sdelay $0x3  }
0x34: {  	[smem:$0x3FBA] =	sst s10  }
0x35: {  	s10 =	sld [smem:$0x3FB9];
	_ =	sdelay $0x3  }
0x36: {  	p1 =	seq.s32 s10, $0x1;
	s10 =	sld [smem:$0x3FBA];
	_ =	sdelay $0x3  }
0x37: {  	[smem:$0x3FBA] =	sst s10  }
0x38: {  	s10 =	sld [smem:$0x3FBB]  }
0x39: {  	_ = 	snop;
	(pc) =	sbr.ind lr, $3  }
0x3a: {  	_ = 	snop  }
0x3b: {  	_ = 	snop  }
0x3c: {  	p2 =	seq.s32 s10, $0x1;
	s10 =	sld [smem:$0x3FBA]  }
0x3d: {  	_ =	shalt  }
0x3e: {  	_ =	shalt  }
0x3f: {  	_ =	shalt  }
0x40: {  	_ =	shalt  }
0x41: {  	_ =	shalt  }
0x42: {  	_ =	shalt  }
0x43: {  	_ =	shalt  }
0x44: {  	_ =	shalt  }
0x45: {  	_ =	shalt  }
0x46: {  	_ =	shalt  }
0x47: {  	_ =	shalt  }
0x48: {  	_ =	shalt  }
0x49: {  	_ =	shalt  }
0x4a: {  	_ =	shalt  }
0x4b: {  	_ =	shalt  }
0x4c: {  	_ =	shalt  }
0x4d: {  	_ =	shalt  }
0x4e: {  	_ =	shalt  }
0x4f: {  	_ =	shalt  }
0x50: {  	_ =	shalt  }
0x51: {  	_ =	shalt  }
0x52: {  	_ =	shalt  }
0x53: {  	_ =	shalt  }
0x54: {  	_ =	shalt  }
0x55: {  	_ =	shalt  }
0x56: {  	_ =	shalt  }
0x57: {  	_ =	shalt  }
0x58: {  	_ =	shalt  }
0x59: {  	_ =	shalt  }
0x5a: {  	_ =	shalt  }
0x5b: {  	_ =	shalt  }
0x5c: {  	_ =	shalt  }
0x5d: {  	_ =	shalt  }
0x5e: {  	_ =	shalt  }
0x5f: {  	_ =	shalt  }
0x60: {  	_ =	shalt  }
0x61: {  	_ =	shalt  }
0x62: {  	_ =	shalt  }
0x63: {  	_ =	shalt  }
0x64: {  	_ =	shalt  }
0x65: {  	_ =	shalt  }
0x66: {  	_ =	shalt  }
0x67: {  	_ =	shalt  }
0x68: {  	_ =	shalt  }
0x69: {  	_ =	shalt  }
0x6a: {  	_ =	shalt  }
0x6b: {  	_ =	shalt  }
0x6c: {  	_ =	shalt  }
0x6d: {  	_ =	shalt  }
0x6e: {  	_ =	shalt  }
0x6f: {  	_ =	shalt  }
0x70: {  	_ =	shalt  }
0x71: {  	_ =	shalt  }
0x72: {  	_ =	shalt  }
0x73: {  	_ =	shalt  }
0x74: {  	_ =	shalt  }
0x75: {  	_ =	shalt  }
0x76: {  	_ =	shalt  }
0x77: {  	_ =	shalt  }
0x78: {  	_ =	shalt  }
0x79: {  	_ =	shalt  }
0x7a: {  	_ =	shalt  }
0x7b: {  	_ =	shalt  }
0x7c: {  	_ =	shalt  }
0x7d: {  	_ =	shalt  }
0x7e: {  	_ =	shalt  }
0x7f: {  	_ =	shalt  }
0x80: {  	_ =	shalt  }
0x81: {  	_ =	shalt  }
0x82: {  	_ =	shalt  }
0x83: {  	_ =	shalt  }
0x84: {  	_ =	shalt  }
0x85: {  	_ =	shalt  }
0x86: {  	_ =	shalt  }
0x87: {  	_ =	shalt  }
.Lfunc_end0:
.L_simem_size_0:
called_computation_lowered:
.L_overlay_start_0:
0x88: {  	s2 =	sld [smem:$0x3FD9]  }
0x89: {  	s3 =	sld [smem:$0x3FFE];
	_ =	sdelay $0x1  }
0x8a: {  	s1 =	srdreg.scid  }
0x8b: {  	s0 =	sand.u32 $0x1, s1  }
0x8c: {  	s18 =	sshll.u32 s0, $0xA;
	s2 =	sadd.s32 s3, s2  }
0x8d: {  	s2 =	sadd.s32 s2, s18  }
0x8e: {  	[smem:$0x3FC6] =	sst s2  }
0x8f: {  	_ = 	snop  }
0x90: {  	s2 =	sld [smem:$0x3FC9]  }
0x91: {  	s19 =	sld [smem:$0x3FC8]  }
0x92: {  	s4 =	sld [smem:$0x3FD0];
	(tm) =	ssettm $0x1  }
0x93: {  	s5 =	sld [smem:$0x3FFB];
	_ =	sdelay $0x3  }
0x94: {  	_ =	strace s5  }
0x95: {  	s5 =	sld [smem:$0x3FFC];
	_ =	sdelay $0x3  }
0x96: {  	_ =	strace s5  }
0x97: {  	s5 =	sld [smem:$0x3FFD];
	_ =	sdelay $0x3  }
0x98: {  	_ =	strace s5  }
0x99: {  	_ =	strace $0x8FFFFFFF  }
0x9a: {  	s20 =	sld [smem:$0x3FDB];
	_ =	sdelay $0x1  }
0x9b: {  	s6 =	simm.s32 $_scs_section_size  }
0x9c: {  	s7 =	simm.s32 $_size__tile_overlayer_lowered;
	s8 =	simm.s32 $_tile_overlayer_lowered  }
0x9d: {  	s23 =	simm.s32 $0x1BFF;
	s22 =	sshll.u32 s8, $0x1;
	s5 =	sadd.s32 s6, s20  }
0x9e: {  	s9 =	simm.s32 $0x0;
	s21 =	sshll.u32 s7, $0x1;
	s7 =	sadd.s32 s22, s5  }
0x9f: {  	[timem:s9], [sflag:s23] =	dma.local [hbm:s7], s21  }
0xa0: {  	_ =	swait.ge [sflag:s23], s21  }
0xa1: {  	s6 =	ssub.s32 $0x0, s21;
	[sflag:s23] =	ssyncset.done $0x0  }
0xa2: {  	[sflag:s23] =	ssyncadd.s32 s6;
	_ =	sdelay $0x1  }
0xa3: {  	s24 =	simm.s32 $0x1B8B  }
0xa4: {  	_ =	swait.ge [sflag:s24], $0x1  }
0xa5: {  	[sflag:s24] =	ssyncset.done $0x0  }
0xa6: {  	s25 =	simm.s32 $0x1B8E;
	[sflag:s24] =	ssyncadd.s32 $0xFFFFFFFF  }
0xa7: {  	s26 =	simm.s32 $execute0_lowered;
	[smem:$0x3FD2] =	sst s25  }
0xa8: {  	s6 =	sshll.u32 s26, $0x1;
	_ =	strace $0x80000046;
	[dreg:$0x1] =	wrdreg $0xFFFFFFFF  }
0xa9: {  	s28 =	simm.s32 $_size_execute0_lowered;
	s5 =	sadd.s32 s5, s6;
	[dreg:$0x0] =	wrdreg $0x0  }
0xaa: {  	s6 =	sshll.u32 s28, $0x1;
	[dreg:$0x2] =	wrdreg s5  }
0xab: {  	[dreg:$0x3] =	wrdreg s6  }
0xac: {  	[dreg:$0x4] =	wrdreg $0xC0  }
0xad: {  	_ =	task [dreg:s9], $0x5FFFF  }
0xae: {  	[dreg:$0x1] =	wrdreg $0xFFFFFFFF  }
0xaf: {  	[dreg:$0x0] =	wrdreg $0x60  }
0xb0: {  	[dreg:$0x2] =	wrdreg s2  }
0xb1: {  	[dreg:$0x3] =	wrdreg s19  }
0xb2: {  	[dreg:$0x4] =	wrdreg s4  }
0xb3: {  	[dreg:$0x5] =	wrdreg $0x9  }
0xb4: {  	_ =	task.clear_ibuf [dreg:s9], $0x6FFFF;
	_ =	strace $0x90000046  }
0xb5: {  	s29 =	simm.s32 $0x9;
	_ =	strace $0x80000048  }
0xb6: {  	_ =	swait.ge [sflag:s29], $0x1  }
0xb7: {  	[sflag:s29] =	ssyncadd.s32 $0xFFFFFFFF  }
0xb8: {  	_ =	strace $0x90000048  }
0xb9: {  	_ =	sfence  }
0xba: {  	s30 =	sld [smem:$0x0];
	_ =	sdelay $0x2  }
0xbb: {  	s31 =	sshll.u32 s1, $0xD;
	s1 =	sshrl.u32 s1, $0x2  }
0xbc: {  	s3 =	sand.u32 $0x4000, s31;
	s1 =	sadd.s32 s1, s30  }
0xbd: {  	s0 =	sor.u32 s3, s0;
	s1 =	sshll.u32 s1, $0x11  }
0xbe: {  	s0 =	sor.u32 s1, s0  }
0xbf: {  	s0 =	sadd.s32 $0x8F2B, s0  }
0xc0: {  	[sflag:s0] =	ssyncadd.remote.s32 $0x1  }
0xc1: {  	_ =	sfence.sel $0xFFFF  }
0xc2: {  	[dreg:$0x0] =	wrdreg $0xFFFFFFFF;
	(pc) =	sbr.abs _section_cstart, $3  }
0xc3: {  	[dreg:$0x1] =	wrdreg $0xFFFFFFFF  }
0xc4: {  	_ =	task.clear_ibuf [dreg:s9], $0x2FFFF;
	_ =	strace $0x9FFFFFFF  }
0xc5: {  	(tm) =	ssettm $0x7FFFFFFF  }
tec
execute0_lowered:
.L_overlay_start_1:
0x0: {  	(tag) =	ssettag $0x1  }
0x1: {  	s1 =	rddreg [dreg:$0x0]  }
0x2: {  	s2 =	srdreg.scid;
	s3 =	rddreg [dreg:$0x1]  }
0x3: {  	s0 =	stileid.u32;
	s4 =	rddreg [dreg:$0x2];
	s5 =	simm.s32 $0x0  }
0x4: {  	s12 =	simm.s32 $0x80;
	s13 =	simm.s32 $0x4080;
	s14 =	simm.s32 $0x5  }
0x5: {  	s15 =	simm.s32 $0x1;
	s16 =	simm.s32 $0x8080;
	s17 =	simm.s32 $0x2  }
0x6: {  	s18 =	simm.s32 $0x4;
	s19 =	simm.s32 $0xC080;
	s20 =	simm.s32 $0x3  }
0x7: {  	s21 =	simm.s32 $0x0;
	s7 =	sand.u32 $0x1, s2;
	s6 =	sshll.u32 s0, $0x12  }
.Ltmp0:
0x8: {  	s2 =	rddreg [dreg:$0x3];
	s8 =	sshll.u32 s7, $0x11;
	(pc) =	sbr.rel .LBB2_1-.Ltmp0, $4  }
0x9: {  	[smem:$0x7FF] =	sst s5;
	s30 =	ssub.s32 $0x2, s7;
	s6 =	sor.u32 s8, s6  }
0xa: {  	_ =	strace $0x80000047;
	s9 =	sshrl.u32 s30, $0x1;
	s31 =	sshrl.u32 s6, $0x3  }
0xb: {  	s11 =	ssub.s32 s30, s9;
	s9 =	sor.u32 $0x8000, s6;
	s7 =	sadd.s32 s1, s31  }
0xc: {  	s10 =	sor.u32 $0xC000, s6;
	s11 =	smax.u32 s11, $0x1;
	s8 =	sadd.s32 $0x800, s7  }
.LBB2_12:
0xd: {  	s21 =	sadd.s32 $0x1, s21  }
0xe: {  	_ =	swait.ge [sflag:s20], $0x4000;
	p0 =	sne.s32 s21, s11  }
.Ltmp1:
0xf: {  	[sflag:s20] =	ssyncset.done $0x0;
	(pc) =	sbr.rel @!p0 .LBB2_13-.Ltmp1, $4  }
0x10: {  	[sflag:s20] =	ssyncadd.s32 $0xFFFFC000  }
0x11: {  	_ =	swait.ge [sflag:s18], $0x4000  }
0x12: {  	[sflag:s18] =	ssyncset.done $0x0  }
0x13: {  	[sflag:s18] =	ssyncadd.s32 $0xFFFFC000  }
.LBB2_1:
0x14: {  	[tilespmem:s12], [sflag:$0x1] =	stream.linear.gather [hbm4b:s7+s5], $0x4000, $0x38;
	[tilespmem:$0x10080] =	vst v63  }
0x15: {  	_ = 	snop  }
0x16: {  	[tilespmem:s13], [sflag:$0x2] =	stream.linear.gather [hbm4b:s8+s5], $0x4000, $0x38;
	[tilespmem:$0x10080] =	vst v63  }
0x17: {  	_ = 	snop  }
0x18: {  	[tilespmem:s5], [sflag:$0x5] =	stream.linear.gather [hbm4b:s3+s5], $0x80, $0x38;
	[tilespmem:$0x10080] =	vst v63  }
0x19: {  	_ =	swait.ge [sflag:s14], $0x80  }
0x1a: {  	[sflag:s14] =	ssyncset.done $0x0  }
0x1b: {  	s22 =	simm.s32 $0x0;
	[sflag:s14] =	ssyncadd.s32 $0xFFFFFF80  }
.LBB2_2:
0x1c: {  	_ =	swait.ge [sflag:s15], $0x4000  }
0x1d: {  	p0 =	seq.s32 s22, $0x0;
	[sflag:s15] =	ssyncset.done $0x0  }
0x1e: {  	s23 =	simm.s32 @!p0 $0x3;
	[sflag:s15] =	ssyncadd.s32 $0xFFFFC000  }
0x1f: {  	_ =	swait.ge @!p0 [sflag:s23], $0x4000  }
0x20: {  	[sflag:s23] =	ssyncset.done @!p0 $0x0  }
0x21: {  	s30 =	simm.s32 $0xA0;
	[sflag:s23] =	ssyncadd.s32 @!p0 $0xFFFFC000  }
0x22: {  	v0 =	vld [tilespmem:s30+$0x10];
	_ =	sdelay $0x1  }
0x23: {  	v2 =	vld [tilespmem:s30+$0xFFFFFFE0]  }
0x24: {  	v4 =	vld [tilespmem:s30+$0xFFFFFFF0]  }
0x25: {  	s31 =	simm.s32 $0xE0;
	v5 =	vld [tilespmem:s30+$0x0]  }
0x26: {  	v7 =	vld [tilespmem:s31+$0x10]  }
0x27: {  	v1 =	vld [tilespmem:s31+$0xFFFFFFF0]  }
0x28: {  	v6 =	vld [tilespmem:s31+$0xFFFFFFE0]  }
0x29: {  	v8 =	vld.idx.msk [tilespmem:v0+s5+$0x0], $0xffff  }
0x2a: {  	v0 =	vld [tilespmem:s31+$0x0]  }
0x2b: {  	v3 =	vld.idx.msk [tilespmem:v2+s5+$0x0], $0xffff  }
0x2c: {  	v2 =	vld.idx.msk [tilespmem:v4+s5+$0x0], $0xffff  }
0x2d: {  	s25 =	simm.s32 $0x80A0;
	s23 =	sshll.u32 s22, $0xF;
	v4 =	vld.idx.msk [tilespmem:v5+s5+$0x0], $0xffff  }
0x2e: {  	s26 =	simm.s32 $0x40;
	s28 =	simm.s32 $0x120;
	s24 =	sor.u32 s6, s23;
	v5 =	vld.idx.msk [tilespmem:v7+s5+$0x0], $0xffff;
	[tilespmem:s25+$0x10] =	vst v8  }
.LBB2_3:
0x2f: {  	v7 =	vld [tilespmem:s28+$0x10];
	s26 =	sadd.s32 $0x40, s26  }
0x30: {  	v8 =	vld [tilespmem:s28+$0xFFFFFFF0];
	p1 =	slt.u32 s26, $0x3FC0;
	[tilespmem:s25+$0xFFFFFFE0] =	vst v3  }
0x31: {  	v9 =	vld [tilespmem:s28+$0x0];
	[tilespmem:s25+$0xFFFFFFF0] =	vst v2  }
0x32: {  	v10 =	vld [tilespmem:s28+$0xFFFFFFE0];
	[tilespmem:s25+$0x0] =	vst v4  }
.Ltmp2:
0x33: {  	s25 =	sadd.s32 $0x40, s25;
	v3 =	vld.idx.msk [tilespmem:v6+s5+$0x0], $0xffff;
	(pc) =	sbr.rel @p1 .LBB2_3-.Ltmp2, $4  }
0x34: {  	v2 =	vld.idx.msk [tilespmem:v1+s5+$0x0], $0xffff;
	[tilespmem:s25+$0x10] =	vst v5  }
0x35: {  	v4 =	vld.idx.msk [tilespmem:v0+s5+$0x0], $0xffff;
	v1 =	vmov v8  }
0x36: {  	v0 =	vmov v9  }
0x37: {  	s28 =	sadd.s32 $0x40, s28;
	v5 =	vld.idx.msk [tilespmem:v7+s5+$0x0], $0xffff;
	v6 =	vmov v10  }
0x38: {  	_ =	sdelay $0x3  }
0x39: {  	v6 =	vld.idx.msk [tilespmem:v6+s5+$0x0], $0xffff  }
0x3a: {  	[tilespmem:s25+$0xFFFFFFE0] =	vst v3;
	v1 =	vld.idx.msk [tilespmem:v1+s5+$0x0], $0xffff  }
0x3b: {  	v0 =	vld.idx.msk [tilespmem:v0+s5+$0x0], $0xffff;
	[tilespmem:s25+$0xFFFFFFF0] =	vst v2  }
0x3c: {  	s30 =	sadd.s32 $0x40, s25;
	p1 =	sne.s32 s22, $0x3;
	[tilespmem:s25+$0x0] =	vst v4  }
.Ltmp3:
0x3d: {  	[tilespmem:s30+$0x10] =	vst v5;
	(pc) =	sbr.rel @p1 .LBB2_6-.Ltmp3, $4  }
0x3e: {  	[tilespmem:s30+$0xFFFFFFE0] =	vst v6  }
0x3f: {  	s24 =	sshrl.u32 s24, $0x3;
	[tilespmem:s30+$0xFFFFFFF0] =	vst v1  }
0x40: {  	s31 =	sadd.s32 s4, s24;
	[tilespmem:s30+$0x0] =	vst v0  }
0x41: {  	[hbm4b:s31+s5] =	stream.linear.scatter [tilespmem:s16], [sflag:$0x3], $0x4000, $0x38;
	[tilespmem:$0x10080] =	vst v63  }
.Ltmp4:
0x42: {  	(pc) =	sbr.rel .LBB2_7-.Ltmp4, $4  }
0x43: {  	_ = 	snop  }
0x44: {  	_ =	swait.ge [sflag:s17], $0x4000  }
0x45: {  	[sflag:s17] =	ssyncset.done $0x0  }
0x46: {  	[sflag:s17] =	ssyncadd.s32 $0xFFFFC000  }
.LBB2_6:
0x47: {  	s25 =	sadd.s32 s23, s9  }
0x48: {  	s25 =	sshrl.u32 s25, $0x3  }
.Ltmp5:
0x49: {  	s25 =	sadd.s32 s1, s25;
	(pc) =	sbr.rel @p0 .LBB2_8-.Ltmp5, $4  }
0x4a: {  	[tilespmem:s12], [sflag:$0x1] =	stream.linear.gather [hbm4b:s25+s5], $0x4000, $0x38;
	[tilespmem:$0x10080] =	vst v63  }
0x4b: {  	_ =	swait.ge [sflag:s17], $0x4000  }
0x4c: {  	[sflag:s17] =	ssyncset.done $0x0  }
0x4d: {  	[sflag:s17] =	ssyncadd.s32 $0xFFFFC000  }
.LBB2_7:
0x4e: {  	_ =	swait.ge [sflag:s18], $0x4000  }
0x4f: {  	[sflag:s18] =	ssyncset.done $0x0  }
0x50: {  	[sflag:s18] =	ssyncadd.s32 $0xFFFFC000  }
.LBB2_8:
0x51: {  	s25 =	simm.s32 $0x40A0  }
0x52: {  	v0 =	vld [tilespmem:s25+$0x10];
	_ =	sdelay $0x1  }
0x53: {  	v2 =	vld [tilespmem:s25+$0xFFFFFFE0]  }
0x54: {  	v3 =	vld [tilespmem:s25+$0xFFFFFFF0]  }
0x55: {  	s31 =	simm.s32 $0x40E0;
	v4 =	vld [tilespmem:s25+$0x0]  }
0x56: {  	v7 =	vld [tilespmem:s31+$0x10]  }
0x57: {  	v1 =	vld [tilespmem:s31+$0xFFFFFFF0]  }
0x58: {  	v6 =	vld [tilespmem:s31+$0xFFFFFFE0]  }
0x59: {  	v8 =	vld.idx.msk [tilespmem:v0+s5+$0x0], $0xffff  }
0x5a: {  	v0 =	vld [tilespmem:s31+$0x0]  }
0x5b: {  	v5 =	vld.idx.msk [tilespmem:v2+s5+$0x0], $0xffff  }
0x5c: {  	v2 =	vld.idx.msk [tilespmem:v3+s5+$0x0], $0xffff  }
0x5d: {  	s25 =	simm.s32 $0xC0A0;
	v3 =	vld.idx.msk [tilespmem:v4+s5+$0x0], $0xffff  }
0x5e: {  	s26 =	simm.s32 $0x40;
	s28 =	simm.s32 $0x4120;
	v4 =	vld.idx.msk [tilespmem:v7+s5+$0x0], $0xffff;
	[tilespmem:s25+$0x10] =	vst v8  }
.LBB2_9:
0x5f: {  	v7 =	vld [tilespmem:s28+$0x10];
	s26 =	sadd.s32 $0x40, s26  }
0x60: {  	v8 =	vld [tilespmem:s28+$0xFFFFFFF0];
	p0 =	slt.u32 s26, $0x3FC0;
	[tilespmem:s25+$0xFFFFFFE0] =	vst v5  }
0x61: {  	v9 =	vld [tilespmem:s28+$0x0];
	[tilespmem:s25+$0xFFFFFFF0] =	vst v2  }
0x62: {  	v10 =	vld [tilespmem:s28+$0xFFFFFFE0];
	[tilespmem:s25+$0x0] =	vst v3  }
.Ltmp6:
0x63: {  	s25 =	sadd.s32 $0x40, s25;
	v5 =	vld.idx.msk [tilespmem:v6+s5+$0x0], $0xffff;
	(pc) =	sbr.rel @p0 .LBB2_9-.Ltmp6, $4  }
0x64: {  	v2 =	vld.idx.msk [tilespmem:v1+s5+$0x0], $0xffff;
	[tilespmem:s25+$0x10] =	vst v4  }
0x65: {  	v3 =	vld.idx.msk [tilespmem:v0+s5+$0x0], $0xffff;
	v1 =	vmov v8  }
0x66: {  	v0 =	vmov v9  }
0x67: {  	s28 =	sadd.s32 $0x40, s28;
	v4 =	vld.idx.msk [tilespmem:v7+s5+$0x0], $0xffff;
	v6 =	vmov v10  }
0x68: {  	_ =	sdelay $0x3  }
0x69: {  	v6 =	vld.idx.msk [tilespmem:v6+s5+$0x0], $0xffff  }
0x6a: {  	[tilespmem:s25+$0xFFFFFFE0] =	vst v5;
	v1 =	vld.idx.msk [tilespmem:v1+s5+$0x0], $0xffff  }
0x6b: {  	v0 =	vld.idx.msk [tilespmem:v0+s5+$0x0], $0xffff;
	[tilespmem:s25+$0xFFFFFFF0] =	vst v2  }
0x6c: {  	s31 =	sadd.s32 $0x40, s25;
	p0 =	seq.s32 s22, $0x3;
	[tilespmem:s25+$0x0] =	vst v3  }
.Ltmp7:
0x6d: {  	[tilespmem:s31+$0x10] =	vst v4;
	(pc) =	sbr.rel @p0 .LBB2_12-.Ltmp7, $4  }
0x6e: {  	[tilespmem:s31+$0xFFFFFFE0] =	vst v6  }
0x6f: {  	s24 =	sadd.s32 s24, s4;
	[tilespmem:s31+$0xFFFFFFF0] =	vst v1  }
0x70: {  	s24 =	sadd.s32 $0x800, s24;
	[tilespmem:s31+$0x0] =	vst v0  }
0x71: {  	[hbm4b:s24+s5] =	stream.linear.scatter [tilespmem:s19], [sflag:$0x4], $0x4000, $0x38;
	[tilespmem:$0x10080] =	vst v63  }
.Ltmp8:
0x72: {  	(pc) =	sbr.rel .LBB2_2-.Ltmp8, $4  }
0x73: {  	s23 =	sadd.s32 s23, s10  }
0x74: {  	s23 =	sshrl.u32 s23, $0x3  }
0x75: {  	s22 =	sadd.s32 $0x1, s22;
	s23 =	sadd.s32 s1, s23  }
0x76: {  	[tilespmem:s13], [sflag:$0x2] =	stream.linear.gather [hbm4b:s23+s5], $0x4000, $0x38;
	[tilespmem:$0x10080] =	vst v63  }
.LBB2_13:
0x77: {  	_ =	sfence.sel $0x180000  }
0x78: {  	[bflag:$0x0] =	sbarrier.arrive $0xFFFF  }
0x79: {  	p0 =	sne.s32 s0, $0x0;
	_ =	strace $0x90000047  }
0x7a: {  	s0 =	sadd.s32 @!p0 $0x100000, s2;
	[bflag:$0x2] =	sbarrier.arrive $0xFFFF  }
0x7b: {  	[sflag:s0] =	ssyncadd.tile.s32 @!p0 $0x1;
	_ =	shalt  }
.Lfunc_end2:
_tile_overlayer_lowered:
.L_overlay_start_2:
0x7c: {  	(tag) =	ssettag $0x2  }
0x7d: {  	s0 =	rddreg [dreg:$0x0];
	s2 =	stileid.u32  }
0x7e: {  	s1 =	rddreg [dreg:$0x1];
	p0 =	sne.s32 s2, $0x0  }
0x7f: {  	s3 =	rddreg [dreg:$0x2];
	[bflag:$0x3] =	sbarrier.arrive $0xFFFF;
	s2 =	simm.s32 @!p0 $0x1C05  }
0x80: {  	[timem:s3], [sflag:s2] =	dma.local @!p0 [hbm:s0], s1  }
0x81: {  	s0 =	simm.s32 @!p0 $0x5  }
0x82: {  	_ =	swait.ge @!p0 [sflag:s0], s1  }
0x83: {  	s1 =	ssub.s32 @!p0 $0x0, s1;
	[sflag:s0] =	ssyncset.done @!p0 $0x0  }
0x84: {  	[sflag:s0] =	ssyncadd.s32 @!p0 s1  }
0x85: {  	[bflag:$0x3] =	sbarrier.arrive $0xFFFF  }
0x86: {  	_ =	shalt  }

</sc_bundles>
